<compile_context>
chip_gen: v7x
topology: tpu7x:2x2x1
jax: 0.10.2.dev20260603
libtpu: 0.0.44.dev20260713+nightly
codegen_flags: <defaults>
</compile_context>

<pallas_src>
import functools

import jax
import jax.numpy as jnp
from jax import lax
from jax.experimental import pallas as pl
from jax.experimental.pallas import tpu as pltpu
from jax.experimental.pallas import tpu_sc as plsc

PRE_SEQ_LEN = 128
NUM_LAYERS = 12
HIDDEN = 768
EMB_DIM = NUM_LAYERS * 2 * HIDDEN
BATCH = 32
PREFIX_LEN = 128

NC = 2
NS = 16
NW = NC * NS
B_TOTAL = BATCH * PREFIX_LEN
B_PER_W = B_TOTAL // NW
G = 1
NCHUNK = B_PER_W // G
NBUF = 4


def _make_gather():
    mesh = plsc.VectorSubcoreMesh(core_axis_name="c", subcore_axis_name="s")

    @functools.partial(
        pl.kernel,
        mesh=mesh,
        out_type=jax.ShapeDtypeStruct((B_TOTAL, EMB_DIM), jnp.float32),
        scratch_types=[
            pltpu.VMEM((NCHUNK, G), jnp.int32),
            pltpu.VMEM((NBUF, G, EMB_DIM), jnp.float32),
            pltpu.SemaphoreType.DMA,
            pltpu.SemaphoreType.DMA,
        ],
    )
    def gather_kernel(idx_hbm, table_hbm, out_hbm, idx_v, rows_v, gsem, ssem):
        wid = lax.axis_index("s") * NC + lax.axis_index("c")
        pltpu.sync_copy(idx_hbm.at[wid], idx_v)
        base = wid * B_PER_W

        def g_start(c, b):
            pltpu.async_copy(table_hbm.at[idx_v.at[c]], rows_v.at[b], gsem)

        def g_wait(c, b):
            pltpu.make_async_copy(
                table_hbm.at[idx_v.at[c]], rows_v.at[b], gsem).wait()

        def s_start(c, b):
            pltpu.async_copy(
                rows_v.at[b], out_hbm.at[pl.ds(base + c * G, G)], ssem)

        def s_wait(c, b):
            pltpu.make_async_copy(
                rows_v.at[b], out_hbm.at[pl.ds(base + c * G, G)], ssem).wait()

        for b in range(NBUF):
            g_start(b, b)

        def body(c, carry):
            b = lax.rem(c, NBUF)
            g_wait(c, b)
            s_start(c, b)

            @pl.when(c + NBUF < NCHUNK)
            def _():
                s_wait(c, b)
                g_start(c + NBUF, b)

            return carry

        lax.fori_loop(0, NCHUNK, body, 0)

        for b in range(NBUF):
            s_wait(b, b)

    return gather_kernel


_gather = _make_gather()


@jax.jit
def kernel(prefix, table):
    idx = prefix.astype(jnp.int32).reshape(NW, NCHUNK, G)
    out = _gather(idx, table)
    return out.reshape(BATCH, PREFIX_LEN, EMB_DIM)

# --- scband reference (transcript-rebuilt; emitter-appended) ---
"""Pipeline reference for scband-prefix-encoder-40518721470804 (READ-ONLY COPY).

The authoritative reference and input builder live on the scoring server;
editing this copy changes nothing except your own understanding.
"""

import jax, jax.numpy as jnp
import numpy as np

PRE_SEQ_LEN = 128
NUM_LAYERS = 12
HIDDEN = 768
EMB_DIM = NUM_LAYERS * 2 * HIDDEN  # 18432
BATCH = 32
PREFIX_LEN = 128


def setup_inputs(seed: int = 0) -> dict:
    key = jax.random.key(seed)
    k1, k2 = jax.random.split(key)
    prefix = jax.random.randint(k1, (BATCH, PREFIX_LEN), 0, PRE_SEQ_LEN, dtype=jnp.int64 if jax.config.jax_enable_x64 else jnp.int32)
    # learned embedding table: (pre_seq_len, num_hidden_layers * 2 * hidden_size)
    table = jax.random.normal(k2, (PRE_SEQ_LEN, EMB_DIM), dtype=jnp.float32) * 0.02
    return {"prefix": prefix, "table": table}


def reference(prefix, table):
    # PrefixEncoder.forward: past_key_values = self.embedding(prefix)
    past_key_values = jnp.take(table, prefix, axis=0)
    return past_key_values

if __name__ == "__main__":
    import jax
    _d = setup_inputs()
    print(jax.jit(kernel)(*tuple(_d.values())))

</pallas_src>

<mosaic_0001>
#map = affine_map<(d0, d1) -> (0, 0, 0)>
#map1 = affine_map<(d0, d1) -> (0, 0)>
module attributes {stable_mosaic.version = 14 : i64} {
  func.func @gather_kernel(%arg0: i32, %arg1: i32, %arg2: memref<32x128x1xi32, #tpu.memory_space<hbm>>, %arg3: memref<128x18432xf32, #tpu.memory_space<hbm>>, %arg4: memref<4096x18432xf32, #tpu.memory_space<hbm>>, %arg5: memref<128x1xi32, #tpu.memory_space<vmem>>, %arg6: memref<4x1x18432xf32, #tpu.memory_space<vmem>>, %arg7: memref<!tpu.dma_semaphore, #tpu.memory_space<semaphore_mem>>, %arg8: memref<!tpu.dma_semaphore, #tpu.memory_space<semaphore_mem>>) attributes {dimension_semantics = [#tpu.dimension_semantics<core_parallel>, #tpu.dimension_semantics<subcore_parallel>], iteration_bounds = array<i64: 2, 16>, scalar_prefetch = 0 : i64, scratch_operands = 4 : i64, tpu.core_type = #tpu.core_type<sc_vector_subcore>, window_params = [{transform_indices = #map}, {transform_indices = #map1}, {transform_indices = #map1}]} {
    %mul3A = arith.constant 2 : i32
    %mul3A_0 = arith.muli %arg1, %mul3A : i32
    %add3A = arith.addi %mul3A_0, %arg0 : i32
    "tpu.region"() ({
      %run_scoped3A = tpu.sem_alloc : memref<!tpu.dma_semaphore, #tpu.memory_space<semaphore_mem>>
      %dma_start3A_114 = arith.constant 0 : i32
      %dma_start3A_115 = arith.constant 0 : i32
      %dma_start3A_116 = tpu.memref_slice %arg2[%add3A, %dma_start3A_114, %dma_start3A_115] : memref<32x128x1xi32, #tpu.memory_space<hbm>> -> memref<1x128x1xi32, #tpu.memory_space<hbm>>
      %dma_start3A_117 = tpu.memref_squeeze %dma_start3A_116 : memref<1x128x1xi32, #tpu.memory_space<hbm>> -> memref<128x1xi32, #tpu.memory_space<hbm>>
      %dma_start3A_118 = arith.constant 0 : i32
      %dma_start3A_119 = arith.constant 0 : i32
      %dma_start3A_120 = tpu.memref_slice %arg2[%add3A, %dma_start3A_118, %dma_start3A_119] : memref<32x128x1xi32, #tpu.memory_space<hbm>> -> memref<1x128x1xi32, #tpu.memory_space<hbm>>
      %dma_start3A_121 = tpu.memref_squeeze %dma_start3A_120 : memref<1x128x1xi32, #tpu.memory_space<hbm>> -> memref<128x1xi32, #tpu.memory_space<hbm>>
      tpu.enqueue_dma source(%dma_start3A_121 : memref<128x1xi32, #tpu.memory_space<hbm>>) target(%arg5 : memref<128x1xi32, #tpu.memory_space<vmem>>) target_semaphore(%run_scoped3A : memref<!tpu.dma_semaphore, #tpu.memory_space<semaphore_mem>>)
      %dma_wait3A_122 = arith.constant 0 : i32
      %dma_wait3A_123 = arith.constant 0 : i32
      %dma_wait3A_124 = tpu.memref_slice %arg2[%add3A, %dma_wait3A_122, %dma_wait3A_123] : memref<32x128x1xi32, #tpu.memory_space<hbm>> -> memref<1x128x1xi32, #tpu.memory_space<hbm>>
      %dma_wait3A_125 = tpu.memref_squeeze %dma_wait3A_124 : memref<1x128x1xi32, #tpu.memory_space<hbm>> -> memref<128x1xi32, #tpu.memory_space<hbm>>
      %dma_wait3A_126 = arith.constant 0 : i32
      %dma_wait3A_127 = arith.constant 0 : i32
      %dma_wait3A_128 = tpu.memref_slice %arg2[%add3A, %dma_wait3A_126, %dma_wait3A_127] : memref<32x128x1xi32, #tpu.memory_space<hbm>> -> memref<1x128x1xi32, #tpu.memory_space<hbm>>
      %dma_wait3A_129 = tpu.memref_squeeze %dma_wait3A_128 : memref<1x128x1xi32, #tpu.memory_space<hbm>> -> memref<128x1xi32, #tpu.memory_space<hbm>>
      tpu.wait_dma2 semaphore(%run_scoped3A : memref<!tpu.dma_semaphore, #tpu.memory_space<semaphore_mem>>) src(%dma_wait3A_129 : memref<128x1xi32, #tpu.memory_space<hbm>>) dst(%arg5 : memref<128x1xi32, #tpu.memory_space<vmem>>)
      tpu.yield
    }) : () -> ()
    %mul3A_1 = arith.constant 128 : i32
    %mul3A_2 = arith.muli %add3A, %mul3A_1 : i32
    %dma_start3A = arith.constant 0 : i32
    %dma_start3A_3 = arith.constant 0 : i32
    %dma_start3A_4 = arith.constant 0 : i32
    %dma_start3A_5 = arith.constant 0 : i32
    %dma_start3A_6 = tpu.memref_slice %arg6[%dma_start3A_3, %dma_start3A_4, %dma_start3A_5] : memref<4x1x18432xf32, #tpu.memory_space<vmem>> -> memref<1x1x18432xf32, #tpu.memory_space<vmem>>
    %dma_start3A_7 = tpu.memref_squeeze %dma_start3A_6 : memref<1x1x18432xf32, #tpu.memory_space<vmem>> -> memref<1x18432xf32, #tpu.memory_space<vmem>>
    %dma_start3A_8 = arith.constant 0 : i32
    %dma_start3A_9 = tpu.memref_slice %arg5[%dma_start3A, %dma_start3A_8] : memref<128x1xi32, #tpu.memory_space<vmem>> -> memref<1x1xi32, #tpu.memory_space<vmem>>
    %dma_start3A_10 = tpu.memref_squeeze %dma_start3A_9 : memref<1x1xi32, #tpu.memory_space<vmem>> -> memref<1xi32, #tpu.memory_space<vmem>>
    %dma_start3A_11 = arith.constant 0 : i32
    %dma_start3A_12 = arith.constant 0 : i32
    %dma_start3A_13 = tpu.memref_slice %arg3[%dma_start3A_11, %dma_start3A_12] : memref<128x18432xf32, #tpu.memory_space<hbm>> -> memref<128x18432xf32, #tpu.memory_space<hbm>>
    tpu.enqueue_indirect_dma source(%dma_start3A_13 : memref<128x18432xf32, #tpu.memory_space<hbm>>) target(%dma_start3A_7 : memref<1x18432xf32, #tpu.memory_space<vmem>>) offsets(%dma_start3A_10 : memref<1xi32, #tpu.memory_space<vmem>>) semaphore(%arg7 : memref<!tpu.dma_semaphore, #tpu.memory_space<semaphore_mem>>)
    %dma_start3A_14 = arith.constant 1 : i32
    %dma_start3A_15 = arith.constant 1 : i32
    %dma_start3A_16 = arith.constant 0 : i32
    %dma_start3A_17 = arith.constant 0 : i32
    %dma_start3A_18 = tpu.memref_slice %arg6[%dma_start3A_15, %dma_start3A_16, %dma_start3A_17] : memref<4x1x18432xf32, #tpu.memory_space<vmem>> -> memref<1x1x18432xf32, #tpu.memory_space<vmem>>
    %dma_start3A_19 = tpu.memref_squeeze %dma_start3A_18 : memref<1x1x18432xf32, #tpu.memory_space<vmem>> -> memref<1x18432xf32, #tpu.memory_space<vmem>>
    %dma_start3A_20 = arith.constant 0 : i32
    %dma_start3A_21 = tpu.memref_slice %arg5[%dma_start3A_14, %dma_start3A_20] : memref<128x1xi32, #tpu.memory_space<vmem>> -> memref<1x1xi32, #tpu.memory_space<vmem>>
    %dma_start3A_22 = tpu.memref_squeeze %dma_start3A_21 : memref<1x1xi32, #tpu.memory_space<vmem>> -> memref<1xi32, #tpu.memory_space<vmem>>
    %dma_start3A_23 = arith.constant 0 : i32
    %dma_start3A_24 = arith.constant 0 : i32
    %dma_start3A_25 = tpu.memref_slice %arg3[%dma_start3A_23, %dma_start3A_24] : memref<128x18432xf32, #tpu.memory_space<hbm>> -> memref<128x18432xf32, #tpu.memory_space<hbm>>
    tpu.enqueue_indirect_dma source(%dma_start3A_25 : memref<128x18432xf32, #tpu.memory_space<hbm>>) target(%dma_start3A_19 : memref<1x18432xf32, #tpu.memory_space<vmem>>) offsets(%dma_start3A_22 : memref<1xi32, #tpu.memory_space<vmem>>) semaphore(%arg7 : memref<!tpu.dma_semaphore, #tpu.memory_space<semaphore_mem>>)
    %dma_start3A_26 = arith.constant 2 : i32
    %dma_start3A_27 = arith.constant 2 : i32
    %dma_start3A_28 = arith.constant 0 : i32
    %dma_start3A_29 = arith.constant 0 : i32
    %dma_start3A_30 = tpu.memref_slice %arg6[%dma_start3A_27, %dma_start3A_28, %dma_start3A_29] : memref<4x1x18432xf32, #tpu.memory_space<vmem>> -> memref<1x1x18432xf32, #tpu.memory_space<vmem>>
    %dma_start3A_31 = tpu.memref_squeeze %dma_start3A_30 : memref<1x1x18432xf32, #tpu.memory_space<vmem>> -> memref<1x18432xf32, #tpu.memory_space<vmem>>
    %dma_start3A_32 = arith.constant 0 : i32
    %dma_start3A_33 = tpu.memref_slice %arg5[%dma_start3A_26, %dma_start3A_32] : memref<128x1xi32, #tpu.memory_space<vmem>> -> memref<1x1xi32, #tpu.memory_space<vmem>>
    %dma_start3A_34 = tpu.memref_squeeze %dma_start3A_33 : memref<1x1xi32, #tpu.memory_space<vmem>> -> memref<1xi32, #tpu.memory_space<vmem>>
    %dma_start3A_35 = arith.constant 0 : i32
    %dma_start3A_36 = arith.constant 0 : i32
    %dma_start3A_37 = tpu.memref_slice %arg3[%dma_start3A_35, %dma_start3A_36] : memref<128x18432xf32, #tpu.memory_space<hbm>> -> memref<128x18432xf32, #tpu.memory_space<hbm>>
    tpu.enqueue_indirect_dma source(%dma_start3A_37 : memref<128x18432xf32, #tpu.memory_space<hbm>>) target(%dma_start3A_31 : memref<1x18432xf32, #tpu.memory_space<vmem>>) offsets(%dma_start3A_34 : memref<1xi32, #tpu.memory_space<vmem>>) semaphore(%arg7 : memref<!tpu.dma_semaphore, #tpu.memory_space<semaphore_mem>>)
    %dma_start3A_38 = arith.constant 3 : i32
    %dma_start3A_39 = arith.constant 3 : i32
    %dma_start3A_40 = arith.constant 0 : i32
    %dma_start3A_41 = arith.constant 0 : i32
    %dma_start3A_42 = tpu.memref_slice %arg6[%dma_start3A_39, %dma_start3A_40, %dma_start3A_41] : memref<4x1x18432xf32, #tpu.memory_space<vmem>> -> memref<1x1x18432xf32, #tpu.memory_space<vmem>>
    %dma_start3A_43 = tpu.memref_squeeze %dma_start3A_42 : memref<1x1x18432xf32, #tpu.memory_space<vmem>> -> memref<1x18432xf32, #tpu.memory_space<vmem>>
    %dma_start3A_44 = arith.constant 0 : i32
    %dma_start3A_45 = tpu.memref_slice %arg5[%dma_start3A_38, %dma_start3A_44] : memref<128x1xi32, #tpu.memory_space<vmem>> -> memref<1x1xi32, #tpu.memory_space<vmem>>
    %dma_start3A_46 = tpu.memref_squeeze %dma_start3A_45 : memref<1x1xi32, #tpu.memory_space<vmem>> -> memref<1xi32, #tpu.memory_space<vmem>>
    %dma_start3A_47 = arith.constant 0 : i32
    %dma_start3A_48 = arith.constant 0 : i32
    %dma_start3A_49 = tpu.memref_slice %arg3[%dma_start3A_47, %dma_start3A_48] : memref<128x18432xf32, #tpu.memory_space<hbm>> -> memref<128x18432xf32, #tpu.memory_space<hbm>>
    tpu.enqueue_indirect_dma source(%dma_start3A_49 : memref<128x18432xf32, #tpu.memory_space<hbm>>) target(%dma_start3A_43 : memref<1x18432xf32, #tpu.memory_space<vmem>>) offsets(%dma_start3A_46 : memref<1xi32, #tpu.memory_space<vmem>>) semaphore(%arg7 : memref<!tpu.dma_semaphore, #tpu.memory_space<semaphore_mem>>)
    %scan3A = arith.constant 0 : i32
    %scan3A_50 = arith.constant 0 : i32
    %scan3A_51 = arith.constant 128 : i32
    %scan3A_52 = arith.addi %scan3A_50, %scan3A_51 : i32
    %scan3A_53 = arith.constant 1 : i32
    scf.for %scan3A_114 = %scan3A_50 to %scan3A_52 step %scan3A_53  : i32 {
      %rem3A = arith.constant 4 : i32
      %rem3A_115 = arith.remsi %scan3A_114, %rem3A : i32
      %dma_wait3A_116 = arith.constant 0 : i32
      %dma_wait3A_117 = arith.constant 0 : i32
      %dma_wait3A_118 = tpu.memref_slice %arg6[%rem3A_115, %dma_wait3A_116, %dma_wait3A_117] : memref<4x1x18432xf32, #tpu.memory_space<vmem>> -> memref<1x1x18432xf32, #tpu.memory_space<vmem>>
      %dma_wait3A_119 = tpu.memref_squeeze %dma_wait3A_118 : memref<1x1x18432xf32, #tpu.memory_space<vmem>> -> memref<1x18432xf32, #tpu.memory_space<vmem>>
      %dma_wait3A_120 = arith.constant 0 : i32
      %dma_wait3A_121 = tpu.memref_slice %arg5[%scan3A_114, %dma_wait3A_120] : memref<128x1xi32, #tpu.memory_space<vmem>> -> memref<1x1xi32, #tpu.memory_space<vmem>>
      %dma_wait3A_122 = tpu.memref_squeeze %dma_wait3A_121 : memref<1x1xi32, #tpu.memory_space<vmem>> -> memref<1xi32, #tpu.memory_space<vmem>>
      %dma_wait3A_123 = arith.constant 0 : i32
      %dma_wait3A_124 = arith.constant 0 : i32
      %dma_wait3A_125 = tpu.memref_slice %arg3[%dma_wait3A_123, %dma_wait3A_124] : memref<128x18432xf32, #tpu.memory_space<hbm>> -> memref<128x18432xf32, #tpu.memory_space<hbm>>
      tpu.wait_indirect_dma semaphore(%arg7 : memref<!tpu.dma_semaphore, #tpu.memory_space<semaphore_mem>>) src(%dma_wait3A_125 : memref<128x18432xf32, #tpu.memory_space<hbm>>) dst(%dma_wait3A_119 : memref<1x18432xf32, #tpu.memory_space<vmem>>)
      %mul3A_126 = arith.constant 1 : i32
      %mul3A_127 = arith.muli %scan3A_114, %mul3A_126 : i32
      %add3A_128 = arith.addi %mul3A_2, %mul3A_127 : i32
      %dma_start3A_129 = arith.constant 0 : i32
      %dma_start3A_130 = arith.constant 0 : i32
      %dma_start3A_131 = tpu.memref_slice %arg6[%rem3A_115, %dma_start3A_129, %dma_start3A_130] : memref<4x1x18432xf32, #tpu.memory_space<vmem>> -> memref<1x1x18432xf32, #tpu.memory_space<vmem>>
      %dma_start3A_132 = tpu.memref_squeeze %dma_start3A_131 : memref<1x1x18432xf32, #tpu.memory_space<vmem>> -> memref<1x18432xf32, #tpu.memory_space<vmem>>
      %dma_start3A_133 = arith.constant 0 : i32
      %dma_start3A_134 = tpu.memref_slice %arg4[%add3A_128, %dma_start3A_133] : memref<4096x18432xf32, #tpu.memory_space<hbm>> -> memref<1x18432xf32, #tpu.memory_space<hbm>>
      %dma_start3A_135 = arith.constant 0 : i32
      %dma_start3A_136 = tpu.memref_slice %arg4[%add3A_128, %dma_start3A_135] : memref<4096x18432xf32, #tpu.memory_space<hbm>> -> memref<1x18432xf32, #tpu.memory_space<hbm>>
      %dma_start3A_137 = arith.constant 0 : i32
      %dma_start3A_138 = arith.constant 0 : i32
      %dma_start3A_139 = tpu.memref_slice %arg6[%rem3A_115, %dma_start3A_137, %dma_start3A_138] : memref<4x1x18432xf32, #tpu.memory_space<vmem>> -> memref<1x1x18432xf32, #tpu.memory_space<vmem>>
      %dma_start3A_140 = tpu.memref_squeeze %dma_start3A_139 : memref<1x1x18432xf32, #tpu.memory_space<vmem>> -> memref<1x18432xf32, #tpu.memory_space<vmem>>
      tpu.enqueue_dma source(%dma_start3A_140 : memref<1x18432xf32, #tpu.memory_space<vmem>>) target(%dma_start3A_136 : memref<1x18432xf32, #tpu.memory_space<hbm>>) target_semaphore(%arg8 : memref<!tpu.dma_semaphore, #tpu.memory_space<semaphore_mem>>)
      %add3A_141 = arith.constant 4 : i32
      %add3A_142 = arith.addi %scan3A_114, %add3A_141 : i32
      %lt3A = arith.constant 128 : i32
      %lt3A_143 = arith.cmpi slt, %add3A_142, %lt3A : i32
      %convert_element_type3A = arith.extui %lt3A_143 : i1 to i32
      %cond3A = arith.constant 0 : i32
      %cond3A_144 = arith.cmpi ne, %convert_element_type3A, %cond3A : i32
      scf.if %cond3A_144 {
        %mul3A_145 = arith.constant 1 : i32
        %mul3A_146 = arith.muli %scan3A_114, %mul3A_145 : i32
        %add3A_147 = arith.addi %mul3A_2, %mul3A_146 : i32
        %dma_wait3A_148 = arith.constant 0 : i32
        %dma_wait3A_149 = arith.constant 0 : i32
        %dma_wait3A_150 = tpu.memref_slice %arg6[%rem3A_115, %dma_wait3A_148, %dma_wait3A_149] : memref<4x1x18432xf32, #tpu.memory_space<vmem>> -> memref<1x1x18432xf32, #tpu.memory_space<vmem>>
        %dma_wait3A_151 = tpu.memref_squeeze %dma_wait3A_150 : memref<1x1x18432xf32, #tpu.memory_space<vmem>> -> memref<1x18432xf32, #tpu.memory_space<vmem>>
        %dma_wait3A_152 = arith.constant 0 : i32
        %dma_wait3A_153 = tpu.memref_slice %arg4[%add3A_147, %dma_wait3A_152] : memref<4096x18432xf32, #tpu.memory_space<hbm>> -> memref<1x18432xf32, #tpu.memory_space<hbm>>
        %dma_wait3A_154 = arith.constant 0 : i32
        %dma_wait3A_155 = tpu.memref_slice %arg4[%add3A_147, %dma_wait3A_154] : memref<4096x18432xf32, #tpu.memory_space<hbm>> -> memref<1x18432xf32, #tpu.memory_space<hbm>>
        %dma_wait3A_156 = arith.constant 0 : i32
        %dma_wait3A_157 = arith.constant 0 : i32
        %dma_wait3A_158 = tpu.memref_slice %arg6[%rem3A_115, %dma_wait3A_156, %dma_wait3A_157] : memref<4x1x18432xf32, #tpu.memory_space<vmem>> -> memref<1x1x18432xf32, #tpu.memory_space<vmem>>
        %dma_wait3A_159 = tpu.memref_squeeze %dma_wait3A_158 : memref<1x1x18432xf32, #tpu.memory_space<vmem>> -> memref<1x18432xf32, #tpu.memory_space<vmem>>
        tpu.wait_dma2 semaphore(%arg8 : memref<!tpu.dma_semaphore, #tpu.memory_space<semaphore_mem>>) src(%dma_wait3A_159 : memref<1x18432xf32, #tpu.memory_space<vmem>>) dst(%dma_wait3A_155 : memref<1x18432xf32, #tpu.memory_space<hbm>>)
        %add3A_160 = arith.constant 4 : i32
        %add3A_161 = arith.addi %scan3A_114, %add3A_160 : i32
        %dma_start3A_162 = arith.constant 0 : i32
        %dma_start3A_163 = arith.constant 0 : i32
        %dma_start3A_164 = tpu.memref_slice %arg6[%rem3A_115, %dma_start3A_162, %dma_start3A_163] : memref<4x1x18432xf32, #tpu.memory_space<vmem>> -> memref<1x1x18432xf32, #tpu.memory_space<vmem>>
        %dma_start3A_165 = tpu.memref_squeeze %dma_start3A_164 : memref<1x1x18432xf32, #tpu.memory_space<vmem>> -> memref<1x18432xf32, #tpu.memory_space<vmem>>
        %dma_start3A_166 = arith.constant 0 : i32
        %dma_start3A_167 = tpu.memref_slice %arg5[%add3A_161, %dma_start3A_166] : memref<128x1xi32, #tpu.memory_space<vmem>> -> memref<1x1xi32, #tpu.memory_space<vmem>>
        %dma_start3A_168 = tpu.memref_squeeze %dma_start3A_167 : memref<1x1xi32, #tpu.memory_space<vmem>> -> memref<1xi32, #tpu.memory_space<vmem>>
        %dma_start3A_169 = arith.constant 0 : i32
        %dma_start3A_170 = arith.constant 0 : i32
        %dma_start3A_171 = tpu.memref_slice %arg3[%dma_start3A_169, %dma_start3A_170] : memref<128x18432xf32, #tpu.memory_space<hbm>> -> memref<128x18432xf32, #tpu.memory_space<hbm>>
        tpu.enqueue_indirect_dma source(%dma_start3A_171 : memref<128x18432xf32, #tpu.memory_space<hbm>>) target(%dma_start3A_165 : memref<1x18432xf32, #tpu.memory_space<vmem>>) offsets(%dma_start3A_168 : memref<1xi32, #tpu.memory_space<vmem>>) semaphore(%arg7 : memref<!tpu.dma_semaphore, #tpu.memory_space<semaphore_mem>>)
      } else {
      }
    }
    %scan3A_54 = arith.constant 128 : i32
    %add3A_55 = arith.constant 0 : i32
    %add3A_56 = arith.addi %mul3A_2, %add3A_55 : i32
    %dma_wait3A = arith.constant 0 : i32
    %dma_wait3A_57 = arith.constant 0 : i32
    %dma_wait3A_58 = arith.constant 0 : i32
    %dma_wait3A_59 = tpu.memref_slice %arg6[%dma_wait3A, %dma_wait3A_57, %dma_wait3A_58] : memref<4x1x18432xf32, #tpu.memory_space<vmem>> -> memref<1x1x18432xf32, #tpu.memory_space<vmem>>
    %dma_wait3A_60 = tpu.memref_squeeze %dma_wait3A_59 : memref<1x1x18432xf32, #tpu.memory_space<vmem>> -> memref<1x18432xf32, #tpu.memory_space<vmem>>
    %dma_wait3A_61 = arith.constant 0 : i32
    %dma_wait3A_62 = tpu.memref_slice %arg4[%add3A_56, %dma_wait3A_61] : memref<4096x18432xf32, #tpu.memory_space<hbm>> -> memref<1x18432xf32, #tpu.memory_space<hbm>>
    %dma_wait3A_63 = arith.constant 0 : i32
    %dma_wait3A_64 = tpu.memref_slice %arg4[%add3A_56, %dma_wait3A_63] : memref<4096x18432xf32, #tpu.memory_space<hbm>> -> memref<1x18432xf32, #tpu.memory_space<hbm>>
    %dma_wait3A_65 = arith.constant 0 : i32
    %dma_wait3A_66 = arith.constant 0 : i32
    %dma_wait3A_67 = tpu.memref_slice %arg6[%dma_wait3A, %dma_wait3A_65, %dma_wait3A_66] : memref<4x1x18432xf32, #tpu.memory_space<vmem>> -> memref<1x1x18432xf32, #tpu.memory_space<vmem>>
    %dma_wait3A_68 = tpu.memref_squeeze %dma_wait3A_67 : memref<1x1x18432xf32, #tpu.memory_space<vmem>> -> memref<1x18432xf32, #tpu.memory_space<vmem>>
    tpu.wait_dma2 semaphore(%arg8 : memref<!tpu.dma_semaphore, #tpu.memory_space<semaphore_mem>>) src(%dma_wait3A_68 : memref<1x18432xf32, #tpu.memory_space<vmem>>) dst(%dma_wait3A_64 : memref<1x18432xf32, #tpu.memory_space<hbm>>)
    %add3A_69 = arith.constant 1 : i32
    %add3A_70 = arith.addi %mul3A_2, %add3A_69 : i32
    %dma_wait3A_71 = arith.constant 1 : i32
    %dma_wait3A_72 = arith.constant 0 : i32
    %dma_wait3A_73 = arith.constant 0 : i32
    %dma_wait3A_74 = tpu.memref_slice %arg6[%dma_wait3A_71, %dma_wait3A_72, %dma_wait3A_73] : memref<4x1x18432xf32, #tpu.memory_space<vmem>> -> memref<1x1x18432xf32, #tpu.memory_space<vmem>>
    %dma_wait3A_75 = tpu.memref_squeeze %dma_wait3A_74 : memref<1x1x18432xf32, #tpu.memory_space<vmem>> -> memref<1x18432xf32, #tpu.memory_space<vmem>>
    %dma_wait3A_76 = arith.constant 0 : i32
    %dma_wait3A_77 = tpu.memref_slice %arg4[%add3A_70, %dma_wait3A_76] : memref<4096x18432xf32, #tpu.memory_space<hbm>> -> memref<1x18432xf32, #tpu.memory_space<hbm>>
    %dma_wait3A_78 = arith.constant 0 : i32
    %dma_wait3A_79 = tpu.memref_slice %arg4[%add3A_70, %dma_wait3A_78] : memref<4096x18432xf32, #tpu.memory_space<hbm>> -> memref<1x18432xf32, #tpu.memory_space<hbm>>
    %dma_wait3A_80 = arith.constant 0 : i32
    %dma_wait3A_81 = arith.constant 0 : i32
    %dma_wait3A_82 = tpu.memref_slice %arg6[%dma_wait3A_71, %dma_wait3A_80, %dma_wait3A_81] : memref<4x1x18432xf32, #tpu.memory_space<vmem>> -> memref<1x1x18432xf32, #tpu.memory_space<vmem>>
    %dma_wait3A_83 = tpu.memref_squeeze %dma_wait3A_82 : memref<1x1x18432xf32, #tpu.memory_space<vmem>> -> memref<1x18432xf32, #tpu.memory_space<vmem>>
    tpu.wait_dma2 semaphore(%arg8 : memref<!tpu.dma_semaphore, #tpu.memory_space<semaphore_mem>>) src(%dma_wait3A_83 : memref<1x18432xf32, #tpu.memory_space<vmem>>) dst(%dma_wait3A_79 : memref<1x18432xf32, #tpu.memory_space<hbm>>)
    %add3A_84 = arith.constant 2 : i32
    %add3A_85 = arith.addi %mul3A_2, %add3A_84 : i32
    %dma_wait3A_86 = arith.constant 2 : i32
    %dma_wait3A_87 = arith.constant 0 : i32
    %dma_wait3A_88 = arith.constant 0 : i32
    %dma_wait3A_89 = tpu.memref_slice %arg6[%dma_wait3A_86, %dma_wait3A_87, %dma_wait3A_88] : memref<4x1x18432xf32, #tpu.memory_space<vmem>> -> memref<1x1x18432xf32, #tpu.memory_space<vmem>>
    %dma_wait3A_90 = tpu.memref_squeeze %dma_wait3A_89 : memref<1x1x18432xf32, #tpu.memory_space<vmem>> -> memref<1x18432xf32, #tpu.memory_space<vmem>>
    %dma_wait3A_91 = arith.constant 0 : i32
    %dma_wait3A_92 = tpu.memref_slice %arg4[%add3A_85, %dma_wait3A_91] : memref<4096x18432xf32, #tpu.memory_space<hbm>> -> memref<1x18432xf32, #tpu.memory_space<hbm>>
    %dma_wait3A_93 = arith.constant 0 : i32
    %dma_wait3A_94 = tpu.memref_slice %arg4[%add3A_85, %dma_wait3A_93] : memref<4096x18432xf32, #tpu.memory_space<hbm>> -> memref<1x18432xf32, #tpu.memory_space<hbm>>
    %dma_wait3A_95 = arith.constant 0 : i32
    %dma_wait3A_96 = arith.constant 0 : i32
    %dma_wait3A_97 = tpu.memref_slice %arg6[%dma_wait3A_86, %dma_wait3A_95, %dma_wait3A_96] : memref<4x1x18432xf32, #tpu.memory_space<vmem>> -> memref<1x1x18432xf32, #tpu.memory_space<vmem>>
    %dma_wait3A_98 = tpu.memref_squeeze %dma_wait3A_97 : memref<1x1x18432xf32, #tpu.memory_space<vmem>> -> memref<1x18432xf32, #tpu.memory_space<vmem>>
    tpu.wait_dma2 semaphore(%arg8 : memref<!tpu.dma_semaphore, #tpu.memory_space<semaphore_mem>>) src(%dma_wait3A_98 : memref<1x18432xf32, #tpu.memory_space<vmem>>) dst(%dma_wait3A_94 : memref<1x18432xf32, #tpu.memory_space<hbm>>)
    %add3A_99 = arith.constant 3 : i32
    %add3A_100 = arith.addi %mul3A_2, %add3A_99 : i32
    %dma_wait3A_101 = arith.constant 3 : i32
    %dma_wait3A_102 = arith.constant 0 : i32
    %dma_wait3A_103 = arith.constant 0 : i32
    %dma_wait3A_104 = tpu.memref_slice %arg6[%dma_wait3A_101, %dma_wait3A_102, %dma_wait3A_103] : memref<4x1x18432xf32, #tpu.memory_space<vmem>> -> memref<1x1x18432xf32, #tpu.memory_space<vmem>>
    %dma_wait3A_105 = tpu.memref_squeeze %dma_wait3A_104 : memref<1x1x18432xf32, #tpu.memory_space<vmem>> -> memref<1x18432xf32, #tpu.memory_space<vmem>>
    %dma_wait3A_106 = arith.constant 0 : i32
    %dma_wait3A_107 = tpu.memref_slice %arg4[%add3A_100, %dma_wait3A_106] : memref<4096x18432xf32, #tpu.memory_space<hbm>> -> memref<1x18432xf32, #tpu.memory_space<hbm>>
    %dma_wait3A_108 = arith.constant 0 : i32
    %dma_wait3A_109 = tpu.memref_slice %arg4[%add3A_100, %dma_wait3A_108] : memref<4096x18432xf32, #tpu.memory_space<hbm>> -> memref<1x18432xf32, #tpu.memory_space<hbm>>
    %dma_wait3A_110 = arith.constant 0 : i32
    %dma_wait3A_111 = arith.constant 0 : i32
    %dma_wait3A_112 = tpu.memref_slice %arg6[%dma_wait3A_101, %dma_wait3A_110, %dma_wait3A_111] : memref<4x1x18432xf32, #tpu.memory_space<vmem>> -> memref<1x1x18432xf32, #tpu.memory_space<vmem>>
    %dma_wait3A_113 = tpu.memref_squeeze %dma_wait3A_112 : memref<1x1x18432xf32, #tpu.memory_space<vmem>> -> memref<1x18432xf32, #tpu.memory_space<vmem>>
    tpu.wait_dma2 semaphore(%arg8 : memref<!tpu.dma_semaphore, #tpu.memory_space<semaphore_mem>>) src(%dma_wait3A_113 : memref<1x18432xf32, #tpu.memory_space<vmem>>) dst(%dma_wait3A_109 : memref<1x18432xf32, #tpu.memory_space<hbm>>)
    return
  }
}

</mosaic_0001>

<sc_bundles>
// kernel: kernel.3.cloned.1.call-start
scs
__scs_entry_jumppad:
0x0: {  	(pc) =	sbr.rel $0x88, $3  }
0x1: {  	(tag) =	ssettag $0x0;
	lr =	simm.s32 $0x1  }
0x2: {  	[smem:$0x3F9F] =	sst lr;
	_ =	strace $0xD0000000  }
0x3: {  	_ = 	snop  }
0x4: {  	_ = 	snop  }
0x5: {  	_ = 	snop  }
0x6: {  	_ = 	snop  }
0x7: {  	_ = 	snop  }
__scs_overlays_trampoline_lowered:
0x8: {  	[smem:$0x3FAE] =	sst s0  }
0x9: {  	[smem:$0x3FAF] =	sst s1  }
0xa: {  	[smem:$0x3FB0] =	sst s2  }
0xb: {  	[smem:$0x3FB1] =	sst s3  }
0xc: {  	[smem:$0x3FB2] =	sst s4  }
0xd: {  	[smem:$0x3FB3] =	sst s5  }
0xe: {  	[smem:$0x3FB4] =	sst s6  }
0xf: {  	[smem:$0x3FB5] =	sst s7  }
0x10: {  	[smem:$0x3FB6] =	sst s8  }
0x11: {  	[smem:$0x3FB7] =	sst s9;
	s0 =	simm.s32 @!p0 $0x0  }
0x12: {  	s1 =	sld [smem:$0x3F9D];
	s0 =	simm.s32 @p0 $0x1  }
0x13: {  	[smem:$0x3FB8] =	sst s0;
	s0 =	simm.s32 @!p1 $0x0  }
0x14: {  	s2 =	sld [smem:$0x3F9C];
	s0 =	simm.s32 @p1 $0x1  }
0x15: {  	[smem:$0x3FB9] =	sst s0;
	s0 =	simm.s32 @!p2 $0x0  }
0x16: {  	s3 =	sld [smem:$0x3FDB];
	s0 =	simm.s32 @p2 $0x1  }
0x17: {  	s4 =	simm.s32 $0x1BF5;
	[smem:$0x3FBB] =	sst s0  }
0x18: {  	s0 =	sld [smem:$0x3F9E];
	_ =	swait.ge [sflag:s4], $0x0  }
0x19: {  	s7 =	sld [smem:$0x3F9F]  }
0x1a: {  	s8 =	sadd.s32 $0xFFFFE003, lr  }
0x1b: {  	s9 =	sadd.s32 $0xFFFFFEF7, lr;
	s5 =	simm.s32 $0xFFFFFFFF;
	p2 =	slt.u32 s8, $0xFFFFF086  }
0x1c: {  	p1 =	slt.u32 s9, $0xF7A;
	s5 =	simm.s32 @!p2 $0x0  }
0x1d: {  	s5 =	simm.s32 @p1 $0x1;
	p0 =	seq.s32 s7, s2  }
0x1e: {  	s7 =	smul.u32 @!p0 $0xF7A, s2;
	p2 =	seq.s32 @!p0 s5, $0x0  }
0x1f: {  	s9 =	smul.u32 $0xF7A, s1;
	s8 =	simm.s32 @!p0 $0x1BF5;
	p2 =	por !p2, p0  }
0x20: {  	[sflag:s8] =	ssyncset.s32 @!p0 $0xFFFFF086;
	s6 =	sadd.s32 @!p0 s3, s7;
	s7 =	simm.s32 @!p0 $0x108  }
0x21: {  	s3 =	sadd.s32 s3, s9;
	s6 =	sadd.s32 @!p0 $0x88, s6;
	s7 =	simm.s32 @p2 $0x1082  }
0x22: {  	[simem:s7], [sflag:s8] =	dma.local @!p0 [hbm:s6], $0xF7A  }
0x23: {  	s9 =	sor.u32 $0xD0000000, s2;
	s6 =	simm.s32 $0x108;
	_ =	swait.ge @!p0 [sflag:s8], $0x0  }
0x24: {  	s3 =	sadd.s32 $0x88, s3;
	s6 =	simm.s32 @!p1 $0x1082;
	[sflag:s4] =	ssyncset.s32 $0xFFFFF086  }
0x25: {  	[simem:s6], [sflag:s4] =	dma.local [hbm:s3], $0xF7A  }
0x26: {  	[smem:$0x3F9F] =	sst s1;
	(tag) =	ssettag s2;
	_ =	strace s9  }
0x27: {  	s1 =	sld [smem:$0x3FAF]  }
0x28: {  	s2 =	sld [smem:$0x3FB0]  }
0x29: {  	s4 =	sld [smem:$0x3FB2]  }
0x2a: {  	p0 =	seq.s32 s5, $0x0;
	s5 =	sld [smem:$0x3FB3]  }
0x2b: {  	s6 =	sld [smem:$0x3FB4]  }
0x2c: {  	s7 =	sld [smem:$0x3FB5]  }
0x2d: {  	s3 =	simm.s32 $0x108;
	s8 =	sld [smem:$0x3FB6]  }
0x2e: {  	s3 =	simm.s32 @!p0 $0x1082;
	s9 =	sld [smem:$0x3FB7]  }
0x2f: {  	lr =	sadd.s32 s0, s3;
	s0 =	sld [smem:$0x3FAE]  }
0x30: {  	s3 =	sld [smem:$0x3FB1]  }
0x31: {  	[smem:$0x3FBA] =	sst s10  }
0x32: {  	s10 =	sld [smem:$0x3FB8];
	_ =	sdelay $0x3  }
0x33: {  	p0 =	seq.s32 s10, $0x1;
	s10 =	sld [smem:$0x3FBA];
	_ =	sdelay $0x3  }
0x34: {  	[smem:$0x3FBA] =	sst s10  }
0x35: {  	s10 =	sld [smem:$0x3FB9];
	_ =	sdelay $0x3  }
0x36: {  	p1 =	seq.s32 s10, $0x1;
	s10 =	sld [smem:$0x3FBA];
	_ =	sdelay $0x3  }
0x37: {  	[smem:$0x3FBA] =	sst s10  }
0x38: {  	s10 =	sld [smem:$0x3FBB]  }
0x39: {  	_ = 	snop;
	(pc) =	sbr.ind lr, $3  }
0x3a: {  	_ = 	snop  }
0x3b: {  	_ = 	snop  }
0x3c: {  	p2 =	seq.s32 s10, $0x1;
	s10 =	sld [smem:$0x3FBA]  }
0x3d: {  	_ =	shalt  }
0x3e: {  	_ =	shalt  }
0x3f: {  	_ =	shalt  }
0x40: {  	_ =	shalt  }
0x41: {  	_ =	shalt  }
0x42: {  	_ =	shalt  }
0x43: {  	_ =	shalt  }
0x44: {  	_ =	shalt  }
0x45: {  	_ =	shalt  }
0x46: {  	_ =	shalt  }
0x47: {  	_ =	shalt  }
0x48: {  	_ =	shalt  }
0x49: {  	_ =	shalt  }
0x4a: {  	_ =	shalt  }
0x4b: {  	_ =	shalt  }
0x4c: {  	_ =	shalt  }
0x4d: {  	_ =	shalt  }
0x4e: {  	_ =	shalt  }
0x4f: {  	_ =	shalt  }
0x50: {  	_ =	shalt  }
0x51: {  	_ =	shalt  }
0x52: {  	_ =	shalt  }
0x53: {  	_ =	shalt  }
0x54: {  	_ =	shalt  }
0x55: {  	_ =	shalt  }
0x56: {  	_ =	shalt  }
0x57: {  	_ =	shalt  }
0x58: {  	_ =	shalt  }
0x59: {  	_ =	shalt  }
0x5a: {  	_ =	shalt  }
0x5b: {  	_ =	shalt  }
0x5c: {  	_ =	shalt  }
0x5d: {  	_ =	shalt  }
0x5e: {  	_ =	shalt  }
0x5f: {  	_ =	shalt  }
0x60: {  	_ =	shalt  }
0x61: {  	_ =	shalt  }
0x62: {  	_ =	shalt  }
0x63: {  	_ =	shalt  }
0x64: {  	_ =	shalt  }
0x65: {  	_ =	shalt  }
0x66: {  	_ =	shalt  }
0x67: {  	_ =	shalt  }
0x68: {  	_ =	shalt  }
0x69: {  	_ =	shalt  }
0x6a: {  	_ =	shalt  }
0x6b: {  	_ =	shalt  }
0x6c: {  	_ =	shalt  }
0x6d: {  	_ =	shalt  }
0x6e: {  	_ =	shalt  }
0x6f: {  	_ =	shalt  }
0x70: {  	_ =	shalt  }
0x71: {  	_ =	shalt  }
0x72: {  	_ =	shalt  }
0x73: {  	_ =	shalt  }
0x74: {  	_ =	shalt  }
0x75: {  	_ =	shalt  }
0x76: {  	_ =	shalt  }
0x77: {  	_ =	shalt  }
0x78: {  	_ =	shalt  }
0x79: {  	_ =	shalt  }
0x7a: {  	_ =	shalt  }
0x7b: {  	_ =	shalt  }
0x7c: {  	_ =	shalt  }
0x7d: {  	_ =	shalt  }
0x7e: {  	_ =	shalt  }
0x7f: {  	_ =	shalt  }
0x80: {  	_ =	shalt  }
0x81: {  	_ =	shalt  }
0x82: {  	_ =	shalt  }
0x83: {  	_ =	shalt  }
0x84: {  	_ =	shalt  }
0x85: {  	_ =	shalt  }
0x86: {  	_ =	shalt  }
0x87: {  	_ =	shalt  }
.Lfunc_end0:
.L_simem_size_0:
called_computation_lowered:
.L_overlay_start_0:
0x88: {  	s2 =	sld [smem:$0x3FD9]  }
0x89: {  	s3 =	sld [smem:$0x3FFE];
	_ =	sdelay $0x1  }
0x8a: {  	s1 =	srdreg.scid  }
0x8b: {  	s0 =	sand.u32 $0x1, s1  }
0x8c: {  	s17 =	sshll.u32 s0, $0xA;
	s2 =	sadd.s32 s3, s2  }
0x8d: {  	s2 =	sadd.s32 s2, s17  }
0x8e: {  	[smem:$0x3FC6] =	sst s2  }
0x8f: {  	_ = 	snop  }
0x90: {  	s2 =	sld [smem:$0x3FC8]  }
0x91: {  	s18 =	sld [smem:$0x3FD0];
	(tm) =	ssettm $0x1  }
0x92: {  	s4 =	sld [smem:$0x3FFB];
	_ =	sdelay $0x3  }
0x93: {  	_ =	strace s4  }
0x94: {  	s4 =	sld [smem:$0x3FFC];
	_ =	sdelay $0x3  }
0x95: {  	_ =	strace s4  }
0x96: {  	s4 =	sld [smem:$0x3FFD];
	_ =	sdelay $0x3  }
0x97: {  	_ =	strace s4  }
0x98: {  	_ =	strace $0x8FFFFFFF  }
0x99: {  	s19 =	sld [smem:$0x3FDB];
	_ =	sdelay $0x1  }
0x9a: {  	s5 =	simm.s32 $_scs_section_size  }
0x9b: {  	s6 =	simm.s32 $_size__tile_overlayer_lowered;
	s7 =	simm.s32 $_tile_overlayer_lowered  }
0x9c: {  	s22 =	simm.s32 $0x1BFF;
	s21 =	sshll.u32 s7, $0x1;
	s4 =	sadd.s32 s5, s19  }
0x9d: {  	s8 =	simm.s32 $0x0;
	s20 =	sshll.u32 s6, $0x1;
	s6 =	sadd.s32 s21, s4  }
0x9e: {  	[timem:s8], [sflag:s22] =	dma.local [hbm:s6], s20  }
0x9f: {  	_ =	swait.ge [sflag:s22], s20  }
0xa0: {  	s5 =	ssub.s32 $0x0, s20;
	[sflag:s22] =	ssyncset.done $0x0  }
0xa1: {  	[sflag:s22] =	ssyncadd.s32 s5;
	_ =	sdelay $0x1  }
0xa2: {  	s23 =	simm.s32 $0x1B8B  }
0xa3: {  	_ =	swait.ge [sflag:s23], $0x1  }
0xa4: {  	[sflag:s23] =	ssyncset.done $0x0  }
0xa5: {  	s25 =	simm.s32 $0x1B8E;
	s24 =	sld [smem:$0x3FFE];
	[sflag:s23] =	ssyncadd.s32 $0xFFFFFFFF  }
0xa6: {  	s26 =	simm.s32 $execute0_lowered;
	[smem:$0x3FD2] =	sst s25  }
0xa7: {  	s6 =	sshll.u32 s26, $0x1;
	_ =	strace $0x80000046;
	[dreg:$0x1] =	wrdreg $0xFFFFFFFF  }
0xa8: {  	s28 =	simm.s32 $_size_execute0_lowered;
	s4 =	sadd.s32 s4, s6;
	[dreg:$0x0] =	wrdreg $0x0  }
0xa9: {  	s6 =	sshll.u32 s28, $0x1;
	[dreg:$0x2] =	wrdreg s4  }
0xaa: {  	[dreg:$0x3] =	wrdreg s6  }
0xab: {  	[dreg:$0x4] =	wrdreg $0xC0  }
0xac: {  	_ =	task [dreg:s8], $0x5FFFF  }
0xad: {  	[dreg:$0x1] =	wrdreg $0xFFFFFFFF  }
0xae: {  	[dreg:$0x0] =	wrdreg $0x60  }
0xaf: {  	[dreg:$0x2] =	wrdreg s24  }
0xb0: {  	[dreg:$0x3] =	wrdreg s2  }
0xb1: {  	[dreg:$0x4] =	wrdreg s18  }
0xb2: {  	[dreg:$0x5] =	wrdreg $0x9  }
0xb3: {  	_ =	task.clear_ibuf [dreg:s8], $0x6FFFF;
	_ =	strace $0x90000046  }
0xb4: {  	s29 =	simm.s32 $0x9;
	_ =	strace $0x80000048  }
0xb5: {  	_ =	swait.ge [sflag:s29], $0x1  }
0xb6: {  	[sflag:s29] =	ssyncadd.s32 $0xFFFFFFFF  }
0xb7: {  	_ =	strace $0x90000048  }
0xb8: {  	_ =	sfence  }
0xb9: {  	s30 =	sld [smem:$0x0];
	_ =	sdelay $0x2  }
0xba: {  	s31 =	sshll.u32 s1, $0xD;
	s1 =	sshrl.u32 s1, $0x2  }
0xbb: {  	s3 =	sand.u32 $0x4000, s31;
	s1 =	sadd.s32 s1, s30  }
0xbc: {  	s0 =	sor.u32 s3, s0;
	s1 =	sshll.u32 s1, $0x11  }
0xbd: {  	s0 =	sor.u32 s1, s0  }
0xbe: {  	s0 =	sadd.s32 $0x8F2B, s0  }
0xbf: {  	[sflag:s0] =	ssyncadd.remote.s32 $0x1  }
0xc0: {  	_ =	sfence.sel $0xFFFF  }
0xc1: {  	[dreg:$0x0] =	wrdreg $0xFFFFFFFF;
	(pc) =	sbr.abs _section_cstart, $3  }
0xc2: {  	[dreg:$0x1] =	wrdreg $0xFFFFFFFF  }
0xc3: {  	_ =	task.clear_ibuf [dreg:s8], $0x2FFFF;
	_ =	strace $0x9FFFFFFF  }
0xc4: {  	(tm) =	ssettm $0x7FFFFFFF  }
0xc5: {  	_ =	shalt  }
tec
execute0_lowered:
.L_overlay_start_1:
0x0: {  	(tag) =	ssettag $0x1  }
0x1: {  	s0 =	rddreg [dreg:$0x0]  }
0x2: {  	s2 =	rddreg [dreg:$0x1]  }
0x3: {  	s1 =	rddreg [dreg:$0x2]  }
0x4: {  	s3 =	srdreg.scid;
	s12 =	stileid.u32  }
0x5: {  	s14 =	simm.s32 $0x3;
	s30 =	simm.s32 $0x80;
	s31 =	simm.s32 $0x400  }
0x6: {  	s15 =	simm.s32 $0x1;
	s16 =	simm.s32 $0x2;
	s17 =	simm.s32 $0x0  }
0x7: {  	[dreg:$0x5] =	wrdreg s1;
	s25 =	sand.u32 $0x1, s3;
	s4 =	sshll.u32 s12, $0xC  }
0x8: {  	s3 =	simm.s32 $0x0;
	s6 =	sadd.s32 $0x1000, s2;
	s7 =	sadd.s32 $0x1800, s2  }
0x9: {  	s8 =	sadd.s32 $0x2000, s2;
	s9 =	sadd.s32 $0x2800, s2;
	s10 =	sadd.s32 $0x3000, s2  }
0xa: {  	s11 =	sadd.s32 $0x3800, s2;
	s29 =	sshll.u32 s12, $0x8;
	s12 =	sadd.s32 $0x4000, s2  }
0xb: {  	s5 =	sshll.u32 s25, $0xB;
	s26 =	ssub.s32 $0x2, s25;
	[smem:$0x7FF] =	sst s3  }
0xc: {  	s1 =	sshll.u32 s25, $0x7;
	s4 =	sor.u32 s5, s4;
	s28 =	sshrl.u32 s26, $0x1  }
0xd: {  	_ =	strace $0x80000047;
	s5 =	sadd.s32 $0x800, s2;
	[dreg:$0x7] =	wrdreg s30  }
0xe: {  	[dreg:$0x6] =	wrdreg s31;
	s0 =	sadd.s32 s4, s0;
	s13 =	ssub.s32 s26, s28  }
0xf: {  	v1 =	vlaneseq.u32;
	s4 =	sadd.s32 $0x400, s0;
	s13 =	smax.u32 s13, $0x1;
	s0 =	sor.u32 s1, s29  }
0x10: {  	v0 =	vimm.s32 $0x0;
	vm0 =	vmmov $0xffff;
	v1 =	vmul.u32 $0x8, v1;
	s1 =	simm.s32 $0x15800;
	[dreg:$0x4] =	wrdreg s0;
	s0 =	simm.s32 $0x15000  }
.LBB2_1:
0x11: {  	[tilespmem:s3], [sflag:$0x3] =	stream.linear.gather [hbm4b:s4+s3], $0x4000, $0x38;
	[tilespmem:$0x16000] =	vst v63  }
0x12: {  	_ =	swait.ge [sflag:s14], $0x4000  }
0x13: {  	[sflag:s14] =	ssyncset.done $0x0  }
0x14: {  	[sflag:s14] =	ssyncadd.s32 $0xFFFFC000  }
0x15: {  	v2 =	vld.msk [tilespmem:$0x0], $0x1;
	_ =	sdelay $0x4  }
0x16: {  	v3 =	vshrl.u32 v2, $0x3  }
0x17: {  	v3 =	vmul.u32 $0x480, v3  }
0x18: {  	v2 =	vand.u32 $0x7, v2  }
0x19: {  	v2 =	vor.u32 v2, v3  }
0x1a: {  	v2 =	vperm.xlane v2, v0;
	_ =	sdelay $0x1  }
0x1b: {  	v2 =	vadd.s32 v1, v2;
	_ =	sdelay $0x3  }
0x1c: {  	s18 =	simm.s32 $0x4000  }
0x1d: {  	[tilespmem:s18], [sflag:$0x1] =	stream.indirect_vreg.gather [hbm4b:s2+s3], $0x80, v2, vm0, $0xb8;
	[tilespmem:$0x16000] =	vst v63  }
0x1e: {  	s20 =	simm.s32 $0x4800  }
0x1f: {  	[tilespmem:s20], [sflag:$0x1] =	stream.indirect_vreg.gather [hbm4b:s5+s3], $0x80, v2, vm0, $0xb8;
	[tilespmem:$0x16000] =	vst v63  }
0x20: {  	s21 =	simm.s32 $0x5000  }
0x21: {  	[tilespmem:s21], [sflag:$0x1] =	stream.indirect_vreg.gather [hbm4b:s6+s3], $0x80, v2, vm0, $0xb8;
	[tilespmem:$0x16000] =	vst v63  }
0x22: {  	s22 =	simm.s32 $0x5800  }
0x23: {  	[tilespmem:s22], [sflag:$0x1] =	stream.indirect_vreg.gather [hbm4b:s7+s3], $0x80, v2, vm0, $0xb8;
	[tilespmem:$0x16000] =	vst v63  }
0x24: {  	s23 =	simm.s32 $0x6000  }
0x25: {  	[tilespmem:s23], [sflag:$0x1] =	stream.indirect_vreg.gather [hbm4b:s8+s3], $0x80, v2, vm0, $0xb8;
	[tilespmem:$0x16000] =	vst v63  }
0x26: {  	s24 =	simm.s32 $0x6800  }
0x27: {  	[tilespmem:s24], [sflag:$0x1] =	stream.indirect_vreg.gather [hbm4b:s9+s3], $0x80, v2, vm0, $0xb8;
	[tilespmem:$0x16000] =	vst v63  }
0x28: {  	s25 =	simm.s32 $0x7000  }
0x29: {  	[tilespmem:s25], [sflag:$0x1] =	stream.indirect_vreg.gather [hbm4b:s10+s3], $0x80, v2, vm0, $0xb8;
	[tilespmem:$0x16000] =	vst v63  }
0x2a: {  	s26 =	simm.s32 $0x7800  }
0x2b: {  	[tilespmem:s26], [sflag:$0x1] =	stream.indirect_vreg.gather [hbm4b:s11+s3], $0x80, v2, vm0, $0xb8;
	[tilespmem:$0x16000] =	vst v63  }
0x2c: {  	s28 =	simm.s32 $0x8000  }
0x2d: {  	[tilespmem:s28], [sflag:$0x1] =	stream.indirect_vreg.gather [hbm4b:s12+s3], $0x80, v2, vm0, $0xb8;
	[tilespmem:$0x16000] =	vst v63  }
0x2e: {  	v2 =	vld.msk [tilespmem:$0x80], $0x1;
	_ =	sdelay $0x4  }
0x2f: {  	v3 =	vshrl.u32 v2, $0x3  }
0x30: {  	v3 =	vmul.u32 $0x480, v3  }
0x31: {  	v2 =	vand.u32 $0x7, v2  }
0x32: {  	v2 =	vor.u32 v2, v3  }
0x33: {  	v2 =	vperm.xlane v2, v0;
	_ =	sdelay $0x1  }
0x34: {  	v2 =	vadd.s32 v1, v2;
	_ =	sdelay $0x3  }
0x35: {  	s29 =	simm.s32 $0x8800  }
0x36: {  	[tilespmem:s29], [sflag:$0x1] =	stream.indirect_vreg.gather [hbm4b:s2+s3], $0x80, v2, vm0, $0xb8;
	[tilespmem:$0x16000] =	vst v63  }
0x37: {  	s30 =	simm.s32 $0x9000  }
0x38: {  	[tilespmem:s30], [sflag:$0x1] =	stream.indirect_vreg.gather [hbm4b:s5+s3], $0x80, v2, vm0, $0xb8;
	[tilespmem:$0x16000] =	vst v63  }
0x39: {  	s31 =	simm.s32 $0x9800  }
0x3a: {  	[tilespmem:s31], [sflag:$0x1] =	stream.indirect_vreg.gather [hbm4b:s6+s3], $0x80, v2, vm0, $0xb8;
	[tilespmem:$0x16000] =	vst v63  }
0x3b: {  	s19 =	simm.s32 $0xA000  }
0x3c: {  	[tilespmem:s19], [sflag:$0x1] =	stream.indirect_vreg.gather [hbm4b:s7+s3], $0x80, v2, vm0, $0xb8;
	[tilespmem:$0x16000] =	vst v63  }
0x3d: {  	s20 =	simm.s32 $0xA800  }
0x3e: {  	[tilespmem:s20], [sflag:$0x1] =	stream.indirect_vreg.gather [hbm4b:s8+s3], $0x80, v2, vm0, $0xb8;
	[tilespmem:$0x16000] =	vst v63  }
0x3f: {  	s21 =	simm.s32 $0xB000  }
0x40: {  	[tilespmem:s21], [sflag:$0x1] =	stream.indirect_vreg.gather [hbm4b:s9+s3], $0x80, v2, vm0, $0xb8;
	[tilespmem:$0x16000] =	vst v63  }
0x41: {  	s22 =	simm.s32 $0xB800  }
0x42: {  	[tilespmem:s22], [sflag:$0x1] =	stream.indirect_vreg.gather [hbm4b:s10+s3], $0x80, v2, vm0, $0xb8;
	[tilespmem:$0x16000] =	vst v63  }
0x43: {  	s23 =	simm.s32 $0xC000  }
0x44: {  	[tilespmem:s23], [sflag:$0x1] =	stream.indirect_vreg.gather [hbm4b:s11+s3], $0x80, v2, vm0, $0xb8;
	[tilespmem:$0x16000] =	vst v63  }
0x45: {  	s24 =	simm.s32 $0xC800  }
0x46: {  	[tilespmem:s24], [sflag:$0x1] =	stream.indirect_vreg.gather [hbm4b:s12+s3], $0x80, v2, vm0, $0xb8;
	[tilespmem:$0x16000] =	vst v63  }
0x47: {  	v2 =	vld.msk [tilespmem:$0x100], $0x1;
	_ =	sdelay $0x4  }
0x48: {  	v3 =	vshrl.u32 v2, $0x3  }
0x49: {  	v3 =	vmul.u32 $0x480, v3  }
0x4a: {  	v2 =	vand.u32 $0x7, v2  }
0x4b: {  	v2 =	vor.u32 v2, v3  }
0x4c: {  	v2 =	vperm.xlane v2, v0;
	_ =	sdelay $0x1  }
0x4d: {  	v2 =	vadd.s32 v1, v2;
	_ =	sdelay $0x3  }
0x4e: {  	s25 =	simm.s32 $0xD000  }
0x4f: {  	[tilespmem:s25], [sflag:$0x1] =	stream.indirect_vreg.gather [hbm4b:s2+s3], $0x80, v2, vm0, $0xb8;
	[tilespmem:$0x16000] =	vst v63  }
0x50: {  	s26 =	simm.s32 $0xD800  }
0x51: {  	[tilespmem:s26], [sflag:$0x1] =	stream.indirect_vreg.gather [hbm4b:s5+s3], $0x80, v2, vm0, $0xb8;
	[tilespmem:$0x16000] =	vst v63  }
0x52: {  	s28 =	simm.s32 $0xE000  }
0x53: {  	[tilespmem:s28], [sflag:$0x1] =	stream.indirect_vreg.gather [hbm4b:s6+s3], $0x80, v2, vm0, $0xb8;
	[tilespmem:$0x16000] =	vst v63  }
0x54: {  	s29 =	simm.s32 $0xE800  }
0x55: {  	[tilespmem:s29], [sflag:$0x1] =	stream.indirect_vreg.gather [hbm4b:s7+s3], $0x80, v2, vm0, $0xb8;
	[tilespmem:$0x16000] =	vst v63  }
0x56: {  	s30 =	simm.s32 $0xF000  }
0x57: {  	[tilespmem:s30], [sflag:$0x1] =	stream.indirect_vreg.gather [hbm4b:s8+s3], $0x80, v2, vm0, $0xb8;
	[tilespmem:$0x16000] =	vst v63  }
0x58: {  	s31 =	simm.s32 $0xF800  }
0x59: {  	[tilespmem:s31], [sflag:$0x1] =	stream.indirect_vreg.gather [hbm4b:s9+s3], $0x80, v2, vm0, $0xb8;
	[tilespmem:$0x16000] =	vst v63  }
0x5a: {  	s19 =	simm.s32 $0x10000  }
0x5b: {  	[tilespmem:s19], [sflag:$0x1] =	stream.indirect_vreg.gather [hbm4b:s10+s3], $0x80, v2, vm0, $0xb8;
	[tilespmem:$0x16000] =	vst v63  }
0x5c: {  	s20 =	simm.s32 $0x10800  }
0x5d: {  	[tilespmem:s20], [sflag:$0x1] =	stream.indirect_vreg.gather [hbm4b:s11+s3], $0x80, v2, vm0, $0xb8;
	[tilespmem:$0x16000] =	vst v63  }
0x5e: {  	s21 =	simm.s32 $0x11000  }
0x5f: {  	[tilespmem:s21], [sflag:$0x1] =	stream.indirect_vreg.gather [hbm4b:s12+s3], $0x80, v2, vm0, $0xb8;
	[tilespmem:$0x16000] =	vst v63  }
0x60: {  	v2 =	vld.msk [tilespmem:$0x180], $0x1;
	_ =	sdelay $0x4  }
0x61: {  	v3 =	vshrl.u32 v2, $0x3  }
0x62: {  	v3 =	vmul.u32 $0x480, v3  }
0x63: {  	v2 =	vand.u32 $0x7, v2  }
0x64: {  	v2 =	vor.u32 v2, v3  }
0x65: {  	v2 =	vperm.xlane v2, v0;
	_ =	sdelay $0x1  }
0x66: {  	v2 =	vadd.s32 v1, v2;
	_ =	sdelay $0x3  }
0x67: {  	s22 =	simm.s32 $0x11800  }
0x68: {  	[tilespmem:s22], [sflag:$0x1] =	stream.indirect_vreg.gather [hbm4b:s2+s3], $0x80, v2, vm0, $0xb8;
	[tilespmem:$0x16000] =	vst v63  }
0x69: {  	s23 =	simm.s32 $0x12000  }
0x6a: {  	[tilespmem:s23], [sflag:$0x1] =	stream.indirect_vreg.gather [hbm4b:s5+s3], $0x80, v2, vm0, $0xb8;
	[tilespmem:$0x16000] =	vst v63  }
0x6b: {  	s24 =	simm.s32 $0x12800  }
0x6c: {  	[tilespmem:s24], [sflag:$0x1] =	stream.indirect_vreg.gather [hbm4b:s6+s3], $0x80, v2, vm0, $0xb8;
	[tilespmem:$0x16000] =	vst v63  }
0x6d: {  	s25 =	simm.s32 $0x13000  }
0x6e: {  	[tilespmem:s25], [sflag:$0x1] =	stream.indirect_vreg.gather [hbm4b:s7+s3], $0x80, v2, vm0, $0xb8;
	[tilespmem:$0x16000] =	vst v63  }
0x6f: {  	s26 =	simm.s32 $0x13800  }
0x70: {  	[tilespmem:s26], [sflag:$0x1] =	stream.indirect_vreg.gather [hbm4b:s8+s3], $0x80, v2, vm0, $0xb8;
	[tilespmem:$0x16000] =	vst v63  }
0x71: {  	s28 =	simm.s32 $0x14000  }
0x72: {  	[tilespmem:s28], [sflag:$0x1] =	stream.indirect_vreg.gather [hbm4b:s9+s3], $0x80, v2, vm0, $0xb8;
	[tilespmem:$0x16000] =	vst v63  }
0x73: {  	s29 =	simm.s32 $0x14800  }
0x74: {  	[tilespmem:s29], [sflag:$0x1] =	stream.indirect_vreg.gather [hbm4b:s10+s3], $0x80, v2, vm0, $0xb8;
	[tilespmem:$0x16000] =	vst v63  }
0x75: {  	_ = 	snop  }
0x76: {  	[tilespmem:s0], [sflag:$0x1] =	stream.indirect_vreg.gather [hbm4b:s11+s3], $0x80, v2, vm0, $0xb8;
	[tilespmem:$0x16000] =	vst v63  }
0x77: {  	_ = 	snop  }
0x78: {  	[tilespmem:s1], [sflag:$0x1] =	stream.indirect_vreg.gather [hbm4b:s12+s3], $0x80, v2, vm0, $0xb8;
	[tilespmem:$0x16000] =	vst v63  }
0x79: {  	_ =	swait.ge [sflag:s15], $0x4800  }
0x7a: {  	s30 =	rddreg [dreg:$0x4]  }
0x7b: {  	s19 =	sand.u32 $0x3, s3;
	s18 =	sadd.s32 $0x0, s30  }
0x7c: {  	s19 =	smul.u32 $0x12000, s19;
	s18 =	sshrl.u32 s18, $0x3  }
0x7d: {  	s18 =	smul.u32 $0x24000, s18  }
0x7e: {  	p0 =	por $0x0, $0x0;
	s19 =	sshrl.u32 s19, $0x2;
	s21 =	sand.u32 $0x380, s3  }
0x7f: {  	s23 =	sadd.s32 $0x4000, s19;
	s20 =	rddreg [dreg:$0x7];
	s18 =	sor.u32 s21, s18  }
0x80: {  	s22 =	rddreg [dreg:$0x5];
	[sflag:s15] =	ssyncset.done $0x0;
	s18 =	sshrl.u32 s18, $0x3  }
0x81: {  	s31 =	rddreg [dreg:$0x6];
	[sflag:s15] =	ssyncadd.s32 $0xFFFFB800;
	s18 =	sadd.s32 s22, s18  }
0x82: {  	[hbm4b:s18+s20] =	stream.strided.scatter [tilespmem:s23], [sflag:$0x2], $0x4800, s31, s20, $0x38;
	[tilespmem:$0x16000] =	vst v63  }
0x83: {  	s18 =	simm.s32 @!p0 $0x2  }
0x84: {  	_ =	swait.ge @!p0 [sflag:s18], $0x4800  }
0x85: {  	[sflag:s18] =	ssyncset.done @!p0 $0x0  }
0x86: {  	s20 =	simm.s32 $0x200;
	[sflag:s18] =	ssyncadd.s32 @!p0 $0xFFFFB800  }
0x87: {  	v2 =	vld.msk @!p0 [tilespmem:s20+$0x0], $0x1;
	_ =	sdelay $0x4  }
0x88: {  	v3 =	vshrl.u32 @!p0 v2, $0x3  }
0x89: {  	v3 =	vmul.u32 @!p0 $0x480, v3  }
0x8a: {  	v2 =	vand.u32 @!p0 $0x7, v2  }
0x8b: {  	v4 =	vlaneseq.u32 @!p0;
	v2 =	vor.u32 @!p0 v2, v3;
	v3 =	vimm.s32 @!p0 $0x0  }
0x8c: {  	v4 =	vmul.u32 @!p0 $0x8, v4;
	v2 =	vperm.xlane @!p0 v2, v3;
	_ =	sdelay $0x1  }
0x8d: {  	v2 =	vadd.s32 @!p0 v4, v2;
	_ =	sdelay $0x3  }
0x8e: {  	vm1 =	vmmov @!p0 $0xffff;
	s22 =	simm.s32 @!p0 $0x0  }
0x8f: {  	[tilespmem:s23], [sflag:$0x1] =	stream.indirect_vreg.gather @!p0 [hbm4b:s2+s22], $0x80, v2, vm1, $0xb8;
	[tilespmem:$0x16000] =	vst v63  }
0x90: {  	s18 =	sadd.s32 @!p0 $0x4800, s19  }
0x91: {  	[tilespmem:s18], [sflag:$0x1] =	stream.indirect_vreg.gather @!p0 [hbm4b:s5+s22], $0x80, v2, vm1, $0xb8;
	[tilespmem:$0x16000] =	vst v63  }
0x92: {  	s18 =	sadd.s32 @!p0 $0x5000, s19  }
0x93: {  	[tilespmem:s18], [sflag:$0x1] =	stream.indirect_vreg.gather @!p0 [hbm4b:s6+s22], $0x80, v2, vm1, $0xb8;
	[tilespmem:$0x16000] =	vst v63  }
0x94: {  	s18 =	sadd.s32 @!p0 $0x5800, s19  }
0x95: {  	[tilespmem:s18], [sflag:$0x1] =	stream.indirect_vreg.gather @!p0 [hbm4b:s7+s22], $0x80, v2, vm1, $0xb8;
	[tilespmem:$0x16000] =	vst v63  }
0x96: {  	s18 =	sadd.s32 @!p0 $0x6000, s19  }
0x97: {  	[tilespmem:s18], [sflag:$0x1] =	stream.indirect_vreg.gather @!p0 [hbm4b:s8+s22], $0x80, v2, vm1, $0xb8;
	[tilespmem:$0x16000] =	vst v63  }
0x98: {  	s18 =	sadd.s32 @!p0 $0x6800, s19  }
0x99: {  	[tilespmem:s18], [sflag:$0x1] =	stream.indirect_vreg.gather @!p0 [hbm4b:s9+s22], $0x80, v2, vm1, $0xb8;
	[tilespmem:$0x16000] =	vst v63  }
0x9a: {  	s18 =	sadd.s32 @!p0 $0x7000, s19  }
0x9b: {  	[tilespmem:s18], [sflag:$0x1] =	stream.indirect_vreg.gather @!p0 [hbm4b:s10+s22], $0x80, v2, vm1, $0xb8;
	[tilespmem:$0x16000] =	vst v63  }
0x9c: {  	s21 =	sadd.s32 @!p0 $0x8000, s19;
	s18 =	sadd.s32 @!p0 $0x7800, s19  }
0x9d: {  	[tilespmem:s18], [sflag:$0x1] =	stream.indirect_vreg.gather @!p0 [hbm4b:s11+s22], $0x80, v2, vm1, $0xb8;
	[tilespmem:$0x16000] =	vst v63  }
0x9e: {  	s20 =	simm.s32 $0x80;
	s19 =	simm.s32 $0x280;
	s18 =	simm.s32 $0x1  }
.LBB2_2:
0x9f: {  	[tilespmem:s21], [sflag:$0x1] =	stream.indirect_vreg.gather @!p0 [hbm4b:s12+s22], $0x80, v2, vm1, $0xb8;
	[tilespmem:$0x16000] =	vst v63  }
0xa0: {  	_ =	swait.ge [sflag:s15], $0x4800  }
0xa1: {  	s29 =	smov.u32 s18;
	s30 =	rddreg [dreg:$0x4]  }
0xa2: {  	s22 =	sadd.s32 s29, s30  }
0xa3: {  	s25 =	sand.u32 $0x380, s20;
	s22 =	sshrl.u32 s22, $0x3  }
0xa4: {  	s23 =	sand.u32 $0x3, s29;
	s24 =	rddreg [dreg:$0x7];
	s22 =	smul.u32 $0x24000, s22  }
0xa5: {  	p0 =	sgt.u32 s29, $0x7B;
	s23 =	smul.u32 $0x12000, s23;
	s26 =	rddreg [dreg:$0x5]  }
0xa6: {  	[sflag:s15] =	ssyncset.done $0x0;
	s31 =	rddreg [dreg:$0x6];
	s22 =	sor.u32 s25, s22  }
0xa7: {  	[sflag:s15] =	ssyncadd.s32 $0xFFFFB800;
	s21 =	sshrl.u32 s23, $0x2;
	s22 =	sshrl.u32 s22, $0x3  }
0xa8: {  	s23 =	simm.s32 @!p0 $0x2;
	s28 =	sadd.s32 $0x4000, s21;
	s22 =	sadd.s32 s26, s22  }
0xa9: {  	[hbm4b:s22+s24] =	stream.strided.scatter [tilespmem:s28], [sflag:$0x2], $0x4800, s31, s24, $0x38;
	[tilespmem:$0x16000] =	vst v63  }
0xaa: {  	_ =	swait.ge @!p0 [sflag:s23], $0x4800  }
0xab: {  	[sflag:s23] =	ssyncset.done @!p0 $0x0  }
0xac: {  	[sflag:s23] =	ssyncadd.s32 @!p0 $0xFFFFB800  }
0xad: {  	v3 =	vld.msk @!p0 [tilespmem:s19+$0x0], $0x1;
	_ =	sdelay $0x4  }
0xae: {  	v4 =	vshrl.u32 @!p0 v3, $0x3  }
0xaf: {  	v4 =	vmul.u32 @!p0 $0x480, v4  }
0xb0: {  	v3 =	vand.u32 @!p0 $0x7, v3  }
0xb1: {  	v2 =	vlaneseq.u32 @!p0;
	v3 =	vor.u32 @!p0 v3, v4;
	v4 =	vimm.s32 @!p0 $0x0  }
0xb2: {  	v2 =	vmul.u32 @!p0 $0x8, v2;
	v3 =	vperm.xlane @!p0 v3, v4;
	_ =	sdelay $0x1  }
0xb3: {  	v2 =	vadd.s32 @!p0 v2, v3;
	_ =	sdelay $0x3  }
0xb4: {  	vm1 =	vmmov @!p0 $0xffff;
	s22 =	simm.s32 @!p0 $0x0  }
0xb5: {  	[tilespmem:s28], [sflag:$0x1] =	stream.indirect_vreg.gather @!p0 [hbm4b:s2+s22], $0x80, v2, vm1, $0xb8;
	[tilespmem:$0x16000] =	vst v63  }
0xb6: {  	s24 =	sadd.s32 @!p0 $0x4800, s21  }
0xb7: {  	[tilespmem:s24], [sflag:$0x1] =	stream.indirect_vreg.gather @!p0 [hbm4b:s5+s22], $0x80, v2, vm1, $0xb8;
	[tilespmem:$0x16000] =	vst v63  }
0xb8: {  	s25 =	sadd.s32 @!p0 $0x5000, s21  }
0xb9: {  	[tilespmem:s25], [sflag:$0x1] =	stream.indirect_vreg.gather @!p0 [hbm4b:s6+s22], $0x80, v2, vm1, $0xb8;
	[tilespmem:$0x16000] =	vst v63  }
0xba: {  	s26 =	sadd.s32 @!p0 $0x5800, s21  }
0xbb: {  	[tilespmem:s26], [sflag:$0x1] =	stream.indirect_vreg.gather @!p0 [hbm4b:s7+s22], $0x80, v2, vm1, $0xb8;
	[tilespmem:$0x16000] =	vst v63  }
0xbc: {  	s18 =	sadd.s32 $0x1, s18;
	s29 =	sadd.s32 @!p0 $0x6000, s21  }
0xbd: {  	[tilespmem:s29], [sflag:$0x1] =	stream.indirect_vreg.gather @!p0 [hbm4b:s8+s22], $0x80, v2, vm1, $0xb8;
	[tilespmem:$0x16000] =	vst v63  }
0xbe: {  	p1 =	sne.s32 s18, $0x80;
	s23 =	sadd.s32 @!p0 $0x6800, s21  }
0xbf: {  	[tilespmem:s23], [sflag:$0x1] =	stream.indirect_vreg.gather @!p0 [hbm4b:s9+s22], $0x80, v2, vm1, $0xb8;
	[tilespmem:$0x16000] =	vst v63  }
.Ltmp0:
0xc0: {  	_ = 	snop;
	(pc) =	sbr.rel @p1 .LBB2_2-.Ltmp0, $4  }
0xc1: {  	s20 =	sadd.s32 $0x80, s20;
	s30 =	sadd.s32 @!p0 $0x7000, s21  }
0xc2: {  	[tilespmem:s30], [sflag:$0x1] =	stream.indirect_vreg.gather @!p0 [hbm4b:s10+s22], $0x80, v2, vm1, $0xb8;
	[tilespmem:$0x16000] =	vst v63  }
0xc3: {  	s31 =	sadd.s32 @!p0 $0x7800, s21;
	s21 =	sadd.s32 @!p0 $0x8000, s21;
	s19 =	sadd.s32 $0x80, s19  }
0xc4: {  	[tilespmem:s31], [sflag:$0x1] =	stream.indirect_vreg.gather @!p0 [hbm4b:s11+s22], $0x80, v2, vm1, $0xb8;
	[tilespmem:$0x16000] =	vst v63  }
0xc5: {  	_ =	sdelay $0x3  }
0xc6: {  	[tilespmem:s21], [sflag:$0x1] =	stream.indirect_vreg.gather @!p0 [hbm4b:s12+s22], $0x80, v2, vm1, $0xb8;
	[tilespmem:$0x16000] =	vst v63  }
0xc7: {  	_ =	swait.ge [sflag:s16], $0x4800  }
0xc8: {  	[sflag:s16] =	ssyncset.done $0x0  }
0xc9: {  	[sflag:s16] =	ssyncadd.s32 $0xFFFFB800  }
0xca: {  	_ =	swait.ge [sflag:s16], $0x4800  }
0xcb: {  	[sflag:s16] =	ssyncset.done $0x0  }
0xcc: {  	s17 =	sadd.s32 $0x1, s17;
	[sflag:s16] =	ssyncadd.s32 $0xFFFFB800  }
0xcd: {  	p0 =	sne.s32 s17, s13;
	_ =	swait.ge [sflag:s16], $0x4800  }
.Ltmp1:
0xce: {  	[sflag:s16] =	ssyncset.done $0x0;
	(pc) =	sbr.rel @p0 .LBB2_1-.Ltmp1, $4  }
0xcf: {  	[sflag:s16] =	ssyncadd.s32 $0xFFFFB800  }
0xd0: {  	_ =	swait.ge [sflag:s16], $0x4800  }
0xd1: {  	[sflag:s16] =	ssyncset.done $0x0  }
0xd2: {  	[sflag:s16] =	ssyncadd.s32 $0xFFFFB800  }
0xd3: {  	_ =	sfence.sel $0x180000  }
0xd4: {  	[bflag:$0x0] =	sbarrier.arrive $0xFFFF  }
0xd5: {  	_ =	strace $0x90000047  }
0xd6: {  	s0 =	stileid.u32;
	[bflag:$0x2] =	sbarrier.arrive $0xFFFF  }
0xd7: {  	p0 =	sne.s32 s0, $0x0;
	s0 =	rddreg [dreg:$0x3]  }
0xd8: {  	s0 =	sadd.s32 @!p0 $0x100000, s0  }
0xd9: {  	[sflag:s0] =	ssyncadd.tile.s32 @!p0 $0x1;
	_ =	shalt  }
.Lfunc_end2:
_tile_overlayer_lowered:
.L_overlay_start_2:
0xda: {  	(tag) =	ssettag $0x2  }
0xdb: {  	s0 =	rddreg [dreg:$0x0];
	s2 =	stileid.u32  }
0xdc: {  	s1 =	rddreg [dreg:$0x1];
	p0 =	sne.s32 s2, $0x0  }
0xdd: {  	s3 =	rddreg [dreg:$0x2];
	[bflag:$0x3] =	sbarrier.arrive $0xFFFF;
	s2 =	simm.s32 @!p0 $0x1C03  }
0xde: {  	[timem:s3], [sflag:s2] =	dma.local @!p0 [hbm:s0], s1  }
0xdf: {  	s0 =	simm.s32 @!p0 $0x3  }
0xe0: {  	_ =	swait.ge @!p0 [sflag:s0], s1  }
0xe1: {  	s1 =	ssub.s32 @!p0 $0x0, s1;
	[sflag:s0] =	ssyncset.done @!p0 $0x0  }
0xe2: {  	[sflag:s0] =	ssyncadd.s32 @!p0 s1  }
0xe3: {  	[bflag:$0x3] =	sbarrier.arrive $0xFFFF  }
0xe4: {  	_ =	shalt  }

</sc_bundles>
